<compile_context>
chip_gen: v7x
topology: tpu7x:2x2x1
jax: 0.10.2.dev20260603
libtpu: 0.0.44.dev20260713+nightly
codegen_flags: <defaults>
</compile_context>

<pallas_src>
import functools

import jax
import jax.numpy as jnp
from jax import lax
from jax.experimental import pallas as pl
from jax.experimental.pallas import tpu as pltpu
from jax.experimental.pallas import tpu_sc as plsc

N_IDX = 16384
N_MEM = 1000000
D = 64
NC = 2
NS = 16
L = 16
NW = NC * NS
DOM = 31264
CHUNKS = N_IDX // L
GCH = 128
ROWS = N_IDX // GCH + 1


def _body(idx_hbm, val_hbm, out_hbm, idx_v, tloc, nb, pos2, wp2, rows_v, sem):
    c = lax.axis_index("c")
    s = lax.axis_index("s")
    w = s * NC + c
    lo = w * DOM
    lane = lax.iota(jnp.int32, L)

    pltpu.sync_copy(idx_hbm, idx_v)

    nb[pl.ds(L, L)] = jnp.full((L,), -1, jnp.int32)

    def scat(i, carry):
        off = pl.multiple_of(i * L, L)
        iv = idx_v[pl.ds(off, L)]
        nb[pl.ds(0, L)] = iv
        m = (iv >= lo) & (iv < lo + DOM)
        for sh in range(1, L):
            m = m & (iv != nb[pl.ds(sh, L)])
        tgt = jnp.where(m, iv - lo, 0)
        plsc.store_scatter(tloc, [tgt], off + lane, mask=m)
        return carry

    lax.fori_loop(0, CHUNKS, scat, 0)

    def comp(i, n_vec):
        off = pl.multiple_of(i * L, L)
        iv = idx_v[pl.ds(off, L)]
        m = (iv >= lo) & (iv < lo + DOM)
        loc = jnp.where(m, iv - lo, 0)
        wv = plsc.load_gather(tloc, [loc], mask=m)
        tgt = n_vec + plsc.cumsum(m.astype(jnp.int32)) - 1
        tgt = jnp.where(m, tgt, 0)
        plsc.store_scatter(pos2, [tgt >> 7, tgt & (GCH - 1)], off + lane,
                           mask=m)
        plsc.store_scatter(wp2, [tgt >> 7, tgt & (GCH - 1)], wv, mask=m)
        return n_vec + plsc.all_reduce_population_count(m)

    n_vec = lax.fori_loop(0, CHUNKS, comp, jnp.zeros((L,), jnp.int32))
    n = jnp.max(n_vec)

    z = jnp.zeros((L,), jnp.int32)
    p0 = plsc.load_gather(pos2, [z, z])
    w0 = plsc.load_gather(wp2, [z, z])
    for t in range(GCH // L):
        tgt = n + t * L + lane
        plsc.store_scatter(pos2, [tgt >> 7, tgt & (GCH - 1)], p0)
        plsc.store_scatter(wp2, [tgt >> 7, tgt & (GCH - 1)], w0)

    nch = (n + GCH - 1) >> 7

    def emit(j, carry):
        pltpu.async_copy(val_hbm.at[wp2.at[j]], rows_v, sem).wait()
        pltpu.async_copy(rows_v, out_hbm.at[pos2.at[j]], sem).wait()
        return carry

    lax.fori_loop(0, nch, emit, 0)


@jax.jit
def _run(idx, val):
    mesh = plsc.VectorSubcoreMesh(core_axis_name="c", subcore_axis_name="s")
    f = functools.partial(
        pl.kernel,
        mesh=mesh,
        compiler_params=pltpu.CompilerParams(
            needs_layout_passes=False, use_tc_tiling_on_sc=False),
        out_type=jax.ShapeDtypeStruct((N_IDX, D), jnp.float32),
        scratch_types=[
            pltpu.VMEM((N_IDX,), jnp.int32),
            pltpu.VMEM((DOM,), jnp.int32),
            pltpu.VMEM((2 * L,), jnp.int32),
            pltpu.VMEM((ROWS, GCH), jnp.int32),
            pltpu.VMEM((ROWS, GCH), jnp.int32),
            pltpu.VMEM((GCH, D), jnp.float32),
            pltpu.SemaphoreType.DMA,
        ],
    )(_body)
    return f(idx, val)


def kernel(lift_fresh_copy_1, index_put_1, view):
    del index_put_1
    idx = lift_fresh_copy_1.astype(jnp.int32)
    return _run(idx, view)

# --- scband reference (transcript-rebuilt; emitter-appended) ---
"""Pipeline reference for scband-repro-11879879541573 (READ-ONLY COPY).

The authoritative reference and input builder live on the scoring server;
editing this copy changes nothing except your own understanding.
"""

import jax, jax.numpy as jnp
import numpy as np

def setup_inputs(seed: int = 0) -> dict:
    key = jax.random.key(seed)
    k1, k2, k3 = jax.random.split(key, 3)
    lift_fresh_copy_1 = jax.random.randint(k1, (16384,), 0, 1000000, dtype=jnp.int64 if jax.config.read('jax_enable_x64') else jnp.int32)
    index_put_1 = jax.random.normal(k2, (1000000, 64), dtype=jnp.float32)
    view = jax.random.normal(k3, (16384, 64), dtype=jnp.float32)
    return {"lift_fresh_copy_1": lift_fresh_copy_1, "index_put_1": index_put_1, "view": view}

def reference(lift_fresh_copy_1, index_put_1, view):
    # aten.index_put(mem, [idx], val): scatter-overwrite rows of mem at idx with val
    index_put_2 = index_put_1.at[lift_fresh_copy_1].set(view)
    # aten.index(mem, [idx]): gather the same rows back
    index_5 = index_put_2[lift_fresh_copy_1]
    return index_5

if __name__ == "__main__":
    import jax
    _d = setup_inputs()
    print(jax.jit(kernel)(*tuple(_d.values())))

</pallas_src>

<mosaic_0001>
#map = affine_map<(d0, d1) -> (0)>
#map1 = affine_map<(d0, d1) -> (0, 0)>
module attributes {stable_mosaic.version = 14 : i64} {
  func.func @_body(%arg0: i32, %arg1: i32, %arg2: memref<16384xi32, #tpu.memory_space<hbm>>, %arg3: memref<16384x64xf32, #tpu.memory_space<hbm>>, %arg4: memref<16384x64xf32, #tpu.memory_space<hbm>>, %arg5: memref<16384xi32, #tpu.memory_space<vmem>>, %arg6: memref<31264xi32, #tpu.memory_space<vmem>>, %arg7: memref<32xi32, #tpu.memory_space<vmem>>, %arg8: memref<129x128xi32, #tpu.memory_space<vmem>>, %arg9: memref<129x128xi32, #tpu.memory_space<vmem>>, %arg10: memref<128x64xf32, #tpu.memory_space<vmem>>, %arg11: memref<!tpu.dma_semaphore, #tpu.memory_space<semaphore_mem>>) attributes {dimension_semantics = [#tpu.dimension_semantics<core_parallel>, #tpu.dimension_semantics<subcore_parallel>], iteration_bounds = array<i64: 2, 16>, scalar_prefetch = 0 : i64, scratch_operands = 7 : i64, tpu.core_type = #tpu.core_type<sc_vector_subcore>, window_params = [{transform_indices = #map}, {transform_indices = #map1}, {transform_indices = #map1}]} {
    %mul3A = arith.constant 2 : i32
    %mul3A_0 = arith.muli %arg1, %mul3A : i32
    %add3A = arith.addi %mul3A_0, %arg0 : i32
    %mul3A_1 = arith.constant 31264 : i32
    %mul3A_2 = arith.muli %add3A, %mul3A_1 : i32
    %iota3A = tpu.iota {dimensions = array<i32: 0>} : vector<16xi32>
    "tpu.region"() ({
      %run_scoped3A = tpu.sem_alloc : memref<!tpu.dma_semaphore, #tpu.memory_space<semaphore_mem>>
      tpu.enqueue_dma source(%arg2 : memref<16384xi32, #tpu.memory_space<hbm>>) target(%arg5 : memref<16384xi32, #tpu.memory_space<vmem>>) target_semaphore(%run_scoped3A : memref<!tpu.dma_semaphore, #tpu.memory_space<semaphore_mem>>)
      tpu.wait_dma2 semaphore(%run_scoped3A : memref<!tpu.dma_semaphore, #tpu.memory_space<semaphore_mem>>) src(%arg2 : memref<16384xi32, #tpu.memory_space<hbm>>) dst(%arg5 : memref<16384xi32, #tpu.memory_space<vmem>>)
      tpu.yield
    }) : () -> ()
    %broadcast_in_dim3A = arith.constant -1 : i32
    %broadcast_in_dim3A_3 = vector.broadcast %broadcast_in_dim3A : i32 to vector<16xi32>
    %swap3A = arith.constant 16 : index
    %swap3A_4 = tpu.vector_load %arg7[%swap3A] {strides = array<i32>} : memref<32xi32, #tpu.memory_space<vmem>>, vector<16xi32>,
    tpu.vector_store %arg7[%swap3A], %broadcast_in_dim3A_3 {strides = array<i32>} : memref<32xi32, #tpu.memory_space<vmem>>, vector<16xi32>,
    %scan3A = arith.constant 0 : i32
    %scan3A_5 = arith.constant 0 : i32
    %scan3A_6 = arith.constant 1024 : i32
    %scan3A_7 = arith.addi %scan3A_5, %scan3A_6 : i32
    %scan3A_8 = arith.constant 1 : i32
    scf.for %scan3A_168 = %scan3A_5 to %scan3A_7 step %scan3A_8  : i32 {
      %mul3A_169 = arith.constant 16 : i32
      %mul3A_170 = arith.muli %scan3A_168, %mul3A_169 : i32
      %multiple_of3A = tpu.assume_multiple %mul3A_170, 16 : i32
      %get3A = arith.index_cast %multiple_of3A : i32 to index
      %get3A_171 = tpu.vector_load %arg5[%get3A] {strides = array<i32>} : memref<16384xi32, #tpu.memory_space<vmem>>, vector<16xi32>,
      %swap3A_172 = arith.constant 0 : index
      %swap3A_173 = tpu.vector_load %arg7[%swap3A_172] {strides = array<i32>} : memref<32xi32, #tpu.memory_space<vmem>>, vector<16xi32>,
      tpu.vector_store %arg7[%swap3A_172], %get3A_171 {strides = array<i32>} : memref<32xi32, #tpu.memory_space<vmem>>, vector<16xi32>,
      %ge3A = vector.broadcast %mul3A_2 : i32 to vector<16xi32>
      %ge3A_174 = arith.cmpi sge, %get3A_171, %ge3A : vector<16xi32>
      %add3A_175 = arith.constant 31264 : i32
      %add3A_176 = arith.addi %mul3A_2, %add3A_175 : i32
      %lt3A = vector.broadcast %add3A_176 : i32 to vector<16xi32>
      %lt3A_177 = arith.cmpi slt, %get3A_171, %lt3A : vector<16xi32>
      %and3A_178 = arith.andi %ge3A_174, %lt3A_177 : vector<16xi1>
      %get3A_179 = arith.constant 1 : index
      %get3A_180 = tpu.vector_load %arg7[%get3A_179] {strides = array<i32>} : memref<32xi32, #tpu.memory_space<vmem>>, vector<16xi32>,
      %ne3A = arith.cmpi ne, %get3A_171, %get3A_180 : vector<16xi32>
      %and3A_181 = arith.andi %and3A_178, %ne3A : vector<16xi1>
      %get3A_182 = arith.constant 2 : index
      %get3A_183 = tpu.vector_load %arg7[%get3A_182] {strides = array<i32>} : memref<32xi32, #tpu.memory_space<vmem>>, vector<16xi32>,
      %ne3A_184 = arith.cmpi ne, %get3A_171, %get3A_183 : vector<16xi32>
      %and3A_185 = arith.andi %and3A_181, %ne3A_184 : vector<16xi1>
      %get3A_186 = arith.constant 3 : index
      %get3A_187 = tpu.vector_load %arg7[%get3A_186] {strides = array<i32>} : memref<32xi32, #tpu.memory_space<vmem>>, vector<16xi32>,
      %ne3A_188 = arith.cmpi ne, %get3A_171, %get3A_187 : vector<16xi32>
      %and3A_189 = arith.andi %and3A_185, %ne3A_188 : vector<16xi1>
      %get3A_190 = arith.constant 4 : index
      %get3A_191 = tpu.vector_load %arg7[%get3A_190] {strides = array<i32>} : memref<32xi32, #tpu.memory_space<vmem>>, vector<16xi32>,
      %ne3A_192 = arith.cmpi ne, %get3A_171, %get3A_191 : vector<16xi32>
      %and3A_193 = arith.andi %and3A_189, %ne3A_192 : vector<16xi1>
      %get3A_194 = arith.constant 5 : index
      %get3A_195 = tpu.vector_load %arg7[%get3A_194] {strides = array<i32>} : memref<32xi32, #tpu.memory_space<vmem>>, vector<16xi32>,
      %ne3A_196 = arith.cmpi ne, %get3A_171, %get3A_195 : vector<16xi32>
      %and3A_197 = arith.andi %and3A_193, %ne3A_196 : vector<16xi1>
      %get3A_198 = arith.constant 6 : index
      %get3A_199 = tpu.vector_load %arg7[%get3A_198] {strides = array<i32>} : memref<32xi32, #tpu.memory_space<vmem>>, vector<16xi32>,
      %ne3A_200 = arith.cmpi ne, %get3A_171, %get3A_199 : vector<16xi32>
      %and3A_201 = arith.andi %and3A_197, %ne3A_200 : vector<16xi1>
      %get3A_202 = arith.constant 7 : index
      %get3A_203 = tpu.vector_load %arg7[%get3A_202] {strides = array<i32>} : memref<32xi32, #tpu.memory_space<vmem>>, vector<16xi32>,
      %ne3A_204 = arith.cmpi ne, %get3A_171, %get3A_203 : vector<16xi32>
      %and3A_205 = arith.andi %and3A_201, %ne3A_204 : vector<16xi1>
      %get3A_206 = arith.constant 8 : index
      %get3A_207 = tpu.vector_load %arg7[%get3A_206] {strides = array<i32>} : memref<32xi32, #tpu.memory_space<vmem>>, vector<16xi32>,
      %ne3A_208 = arith.cmpi ne, %get3A_171, %get3A_207 : vector<16xi32>
      %and3A_209 = arith.andi %and3A_205, %ne3A_208 : vector<16xi1>
      %get3A_210 = arith.constant 9 : index
      %get3A_211 = tpu.vector_load %arg7[%get3A_210] {strides = array<i32>} : memref<32xi32, #tpu.memory_space<vmem>>, vector<16xi32>,
      %ne3A_212 = arith.cmpi ne, %get3A_171, %get3A_211 : vector<16xi32>
      %and3A_213 = arith.andi %and3A_209, %ne3A_212 : vector<16xi1>
      %get3A_214 = arith.constant 10 : index
      %get3A_215 = tpu.vector_load %arg7[%get3A_214] {strides = array<i32>} : memref<32xi32, #tpu.memory_space<vmem>>, vector<16xi32>,
      %ne3A_216 = arith.cmpi ne, %get3A_171, %get3A_215 : vector<16xi32>
      %and3A_217 = arith.andi %and3A_213, %ne3A_216 : vector<16xi1>
      %get3A_218 = arith.constant 11 : index
      %get3A_219 = tpu.vector_load %arg7[%get3A_218] {strides = array<i32>} : memref<32xi32, #tpu.memory_space<vmem>>, vector<16xi32>,
      %ne3A_220 = arith.cmpi ne, %get3A_171, %get3A_219 : vector<16xi32>
      %and3A_221 = arith.andi %and3A_217, %ne3A_220 : vector<16xi1>
      %get3A_222 = arith.constant 12 : index
      %get3A_223 = tpu.vector_load %arg7[%get3A_222] {strides = array<i32>} : memref<32xi32, #tpu.memory_space<vmem>>, vector<16xi32>,
      %ne3A_224 = arith.cmpi ne, %get3A_171, %get3A_223 : vector<16xi32>
      %and3A_225 = arith.andi %and3A_221, %ne3A_224 : vector<16xi1>
      %get3A_226 = arith.constant 13 : index
      %get3A_227 = tpu.vector_load %arg7[%get3A_226] {strides = array<i32>} : memref<32xi32, #tpu.memory_space<vmem>>, vector<16xi32>,
      %ne3A_228 = arith.cmpi ne, %get3A_171, %get3A_227 : vector<16xi32>
      %and3A_229 = arith.andi %and3A_225, %ne3A_228 : vector<16xi1>
      %get3A_230 = arith.constant 14 : index
      %get3A_231 = tpu.vector_load %arg7[%get3A_230] {strides = array<i32>} : memref<32xi32, #tpu.memory_space<vmem>>, vector<16xi32>,
      %ne3A_232 = arith.cmpi ne, %get3A_171, %get3A_231 : vector<16xi32>
      %and3A_233 = arith.andi %and3A_229, %ne3A_232 : vector<16xi1>
      %get3A_234 = arith.constant 15 : index
      %get3A_235 = tpu.vector_load %arg7[%get3A_234] {strides = array<i32>} : memref<32xi32, #tpu.memory_space<vmem>>, vector<16xi32>,
      %ne3A_236 = arith.cmpi ne, %get3A_171, %get3A_235 : vector<16xi32>
      %and3A_237 = arith.andi %and3A_233, %ne3A_236 : vector<16xi1>
      %sub3A_238 = vector.broadcast %mul3A_2 : i32 to vector<16xi32>
      %sub3A_239 = arith.subi %get3A_171, %sub3A_238 : vector<16xi32>
      %jit3A = arith.constant 0 : i32
      %broadcast_in_dim3A_240 = vector.broadcast %jit3A : i32 to vector<16xi32>
      %select_n3A = arith.select %and3A_237, %sub3A_239, %broadcast_in_dim3A_240 : vector<16xi1>, vector<16xi32>
      %add3A_241 = vector.broadcast %multiple_of3A : i32 to vector<16xi32>
      %add3A_242 = arith.addi %add3A_241, %iota3A : vector<16xi32>
      tpu.vector_store_idx %arg6[%select_n3A], %add3A_242 masked %and3A_237 : memref<31264xi32, #tpu.memory_space<vmem>>[vector<16xi32>], vector<16xi32>, vector<16xi1>
    }
    %scan3A_9 = arith.constant 1024 : i32
    %broadcast_in_dim3A_10 = arith.constant 0 : i32
    %broadcast_in_dim3A_11 = vector.broadcast %broadcast_in_dim3A_10 : i32 to vector<16xi32>
    %scan3A_12 = arith.constant 0 : i32
    %scan3A_13 = arith.constant 1024 : i32
    %scan3A_14 = arith.addi %scan3A_12, %scan3A_13 : i32
    %scan3A_15 = arith.constant 1 : i32
    %scan3A_16 = scf.for %scan3A_168 = %scan3A_12 to %scan3A_14 step %scan3A_15 iter_args(%scan3A_169 = %broadcast_in_dim3A_11) -> (vector<16xi32>)  : i32 {
      %mul3A_170 = arith.constant 16 : i32
      %mul3A_171 = arith.muli %scan3A_168, %mul3A_170 : i32
      %multiple_of3A = tpu.assume_multiple %mul3A_171, 16 : i32
      %get3A = arith.index_cast %multiple_of3A : i32 to index
      %get3A_172 = tpu.vector_load %arg5[%get3A] {strides = array<i32>} : memref<16384xi32, #tpu.memory_space<vmem>>, vector<16xi32>,
      %ge3A = vector.broadcast %mul3A_2 : i32 to vector<16xi32>
      %ge3A_173 = arith.cmpi sge, %get3A_172, %ge3A : vector<16xi32>
      %add3A_174 = arith.constant 31264 : i32
      %add3A_175 = arith.addi %mul3A_2, %add3A_174 : i32
      %lt3A = vector.broadcast %add3A_175 : i32 to vector<16xi32>
      %lt3A_176 = arith.cmpi slt, %get3A_172, %lt3A : vector<16xi32>
      %and3A_177 = arith.andi %ge3A_173, %lt3A_176 : vector<16xi1>
      %sub3A_178 = vector.broadcast %mul3A_2 : i32 to vector<16xi32>
      %sub3A_179 = arith.subi %get3A_172, %sub3A_178 : vector<16xi32>
      %jit3A = arith.constant 0 : i32
      %broadcast_in_dim3A_180 = vector.broadcast %jit3A : i32 to vector<16xi32>
      %select_n3A = arith.select %and3A_177, %sub3A_179, %broadcast_in_dim3A_180 : vector<16xi1>, vector<16xi32>
      %gather3A_181 = tpu.vector_load_idx %arg6[%select_n3A] masked %and3A_177 : memref<31264xi32, #tpu.memory_space<vmem>>[vector<16xi32>], vector<16xi32>, vector<16xi1>
      %convert_element_type3A = arith.extui %and3A_177 : vector<16xi1> to vector<16xi32>
      %broadcast_in_dim3A_182 = arith.constant true
      %broadcast_in_dim3A_183 = vector.broadcast %broadcast_in_dim3A_182 : i1 to vector<16xi1>
      %masked_cumsum3A = tpu.scan <sum>, %convert_element_type3A masked %broadcast_in_dim3A_183 : vector<16xi32>, vector<16xi1> -> vector<16xi32>
      %add3A_184 = arith.addi %scan3A_169, %masked_cumsum3A : vector<16xi32>
      %sub3A_185 = arith.constant 1 : i32
      %sub3A_186 = vector.broadcast %sub3A_185 : i32 to vector<16xi32>
      %sub3A_187 = arith.subi %add3A_184, %sub3A_186 : vector<16xi32>
      %jit3A_188 = arith.constant 0 : i32
      %broadcast_in_dim3A_189 = vector.broadcast %jit3A_188 : i32 to vector<16xi32>
      %select_n3A_190 = arith.select %and3A_177, %sub3A_187, %broadcast_in_dim3A_189 : vector<16xi1>, vector<16xi32>
      %shift_right_arithmetic3A_191 = arith.constant 7 : i32
      %shift_right_arithmetic3A_192 = vector.broadcast %shift_right_arithmetic3A_191 : i32 to vector<16xi32>
      %shift_right_arithmetic3A_193 = arith.shrsi %select_n3A_190, %shift_right_arithmetic3A_192 : vector<16xi32>
      %and3A_194 = arith.constant 127 : i32
      %and3A_195 = vector.broadcast %and3A_194 : i32 to vector<16xi32>
      %and3A_196 = arith.andi %select_n3A_190, %and3A_195 : vector<16xi32>
      %add3A_197 = vector.broadcast %multiple_of3A : i32 to vector<16xi32>
      %add3A_198 = arith.addi %add3A_197, %iota3A : vector<16xi32>
      tpu.vector_store_idx %arg8[%shift_right_arithmetic3A_193, %and3A_196], %add3A_198 masked %and3A_177 : memref<129x128xi32, #tpu.memory_space<vmem>>[vector<16xi32>, vector<16xi32>], vector<16xi32>, vector<16xi1>
      %shift_right_arithmetic3A_199 = arith.constant 7 : i32
      %shift_right_arithmetic3A_200 = vector.broadcast %shift_right_arithmetic3A_199 : i32 to vector<16xi32>
      %shift_right_arithmetic3A_201 = arith.shrsi %select_n3A_190, %shift_right_arithmetic3A_200 : vector<16xi32>
      %and3A_202 = arith.constant 127 : i32
      %and3A_203 = vector.broadcast %and3A_202 : i32 to vector<16xi32>
      %and3A_204 = arith.andi %select_n3A_190, %and3A_203 : vector<16xi32>
      tpu.vector_store_idx %arg9[%shift_right_arithmetic3A_201, %and3A_204], %gather3A_181 masked %and3A_177 : memref<129x128xi32, #tpu.memory_space<vmem>>[vector<16xi32>, vector<16xi32>], vector<16xi32>, vector<16xi1>
      %all_reduce_population_count3A = tpu.all_reduce %and3A_177 {dim = 0 : i64, kind = #tpu.reduction_kind<sum>} : vector<16xi1> -> vector<16xi32>
      %add3A_205 = arith.addi %scan3A_169, %all_reduce_population_count3A : vector<16xi32>
      scf.yield %add3A_205 : vector<16xi32>
    }
    %scan3A_17 = arith.constant 1024 : i32
    %reduce_max3A = arith.constant true
    %reduce_max3A_18 = vector.broadcast %reduce_max3A : i1 to vector<16xi1>
    %reduce_max3A_19 = arith.constant -2147483648 : i32
    %reduce_max3A_20 = vector.broadcast %reduce_max3A_19 : i32 to vector<16xi32>
    %reduce_max3A_21 = arith.xori %scan3A_16, %reduce_max3A_20 : vector<16xi32>
    %reduce_max3A_22 = tpu.scan <max>, %reduce_max3A_21 masked %reduce_max3A_18 : vector<16xi32>, vector<16xi1> -> vector<16xi32>
    %reduce_max3A_23 = arith.xori %reduce_max3A_22, %reduce_max3A_20 : vector<16xi32>
    %reduce_max3A_24 = vector.extract %reduce_max3A_23[15] : i32 from vector<16xi32>
    %broadcast_in_dim3A_25 = arith.constant 0 : i32
    %broadcast_in_dim3A_26 = vector.broadcast %broadcast_in_dim3A_25 : i32 to vector<16xi32>
    %gather3A = tpu.vector_load_idx %arg8[%broadcast_in_dim3A_26, %broadcast_in_dim3A_26] : memref<129x128xi32, #tpu.memory_space<vmem>>[vector<16xi32>, vector<16xi32>], vector<16xi32>,
    %gather3A_27 = tpu.vector_load_idx %arg9[%broadcast_in_dim3A_26, %broadcast_in_dim3A_26] : memref<129x128xi32, #tpu.memory_space<vmem>>[vector<16xi32>, vector<16xi32>], vector<16xi32>,
    %add3A_28 = arith.constant 0 : i32
    %add3A_29 = arith.addi %reduce_max3A_24, %add3A_28 : i32
    %add3A_30 = vector.broadcast %add3A_29 : i32 to vector<16xi32>
    %add3A_31 = arith.addi %add3A_30, %iota3A : vector<16xi32>
    %shift_right_arithmetic3A = arith.constant 7 : i32
    %shift_right_arithmetic3A_32 = vector.broadcast %shift_right_arithmetic3A : i32 to vector<16xi32>
    %shift_right_arithmetic3A_33 = arith.shrsi %add3A_31, %shift_right_arithmetic3A_32 : vector<16xi32>
    %and3A = arith.constant 127 : i32
    %and3A_34 = vector.broadcast %and3A : i32 to vector<16xi32>
    %and3A_35 = arith.andi %add3A_31, %and3A_34 : vector<16xi32>
    tpu.vector_store_idx %arg8[%shift_right_arithmetic3A_33, %and3A_35], %gather3A : memref<129x128xi32, #tpu.memory_space<vmem>>[vector<16xi32>, vector<16xi32>], vector<16xi32>,
    %shift_right_arithmetic3A_36 = arith.constant 7 : i32
    %shift_right_arithmetic3A_37 = vector.broadcast %shift_right_arithmetic3A_36 : i32 to vector<16xi32>
    %shift_right_arithmetic3A_38 = arith.shrsi %add3A_31, %shift_right_arithmetic3A_37 : vector<16xi32>
    %and3A_39 = arith.constant 127 : i32
    %and3A_40 = vector.broadcast %and3A_39 : i32 to vector<16xi32>
    %and3A_41 = arith.andi %add3A_31, %and3A_40 : vector<16xi32>
    tpu.vector_store_idx %arg9[%shift_right_arithmetic3A_38, %and3A_41], %gather3A_27 : memref<129x128xi32, #tpu.memory_space<vmem>>[vector<16xi32>, vector<16xi32>], vector<16xi32>,
    %add3A_42 = arith.constant 16 : i32
    %add3A_43 = arith.addi %reduce_max3A_24, %add3A_42 : i32
    %add3A_44 = vector.broadcast %add3A_43 : i32 to vector<16xi32>
    %add3A_45 = arith.addi %add3A_44, %iota3A : vector<16xi32>
    %shift_right_arithmetic3A_46 = arith.constant 7 : i32
    %shift_right_arithmetic3A_47 = vector.broadcast %shift_right_arithmetic3A_46 : i32 to vector<16xi32>
    %shift_right_arithmetic3A_48 = arith.shrsi %add3A_45, %shift_right_arithmetic3A_47 : vector<16xi32>
    %and3A_49 = arith.constant 127 : i32
    %and3A_50 = vector.broadcast %and3A_49 : i32 to vector<16xi32>
    %and3A_51 = arith.andi %add3A_45, %and3A_50 : vector<16xi32>
    tpu.vector_store_idx %arg8[%shift_right_arithmetic3A_48, %and3A_51], %gather3A : memref<129x128xi32, #tpu.memory_space<vmem>>[vector<16xi32>, vector<16xi32>], vector<16xi32>,
    %shift_right_arithmetic3A_52 = arith.constant 7 : i32
    %shift_right_arithmetic3A_53 = vector.broadcast %shift_right_arithmetic3A_52 : i32 to vector<16xi32>
    %shift_right_arithmetic3A_54 = arith.shrsi %add3A_45, %shift_right_arithmetic3A_53 : vector<16xi32>
    %and3A_55 = arith.constant 127 : i32
    %and3A_56 = vector.broadcast %and3A_55 : i32 to vector<16xi32>
    %and3A_57 = arith.andi %add3A_45, %and3A_56 : vector<16xi32>
    tpu.vector_store_idx %arg9[%shift_right_arithmetic3A_54, %and3A_57], %gather3A_27 : memref<129x128xi32, #tpu.memory_space<vmem>>[vector<16xi32>, vector<16xi32>], vector<16xi32>,
    %add3A_58 = arith.constant 32 : i32
    %add3A_59 = arith.addi %reduce_max3A_24, %add3A_58 : i32
    %add3A_60 = vector.broadcast %add3A_59 : i32 to vector<16xi32>
    %add3A_61 = arith.addi %add3A_60, %iota3A : vector<16xi32>
    %shift_right_arithmetic3A_62 = arith.constant 7 : i32
    %shift_right_arithmetic3A_63 = vector.broadcast %shift_right_arithmetic3A_62 : i32 to vector<16xi32>
    %shift_right_arithmetic3A_64 = arith.shrsi %add3A_61, %shift_right_arithmetic3A_63 : vector<16xi32>
    %and3A_65 = arith.constant 127 : i32
    %and3A_66 = vector.broadcast %and3A_65 : i32 to vector<16xi32>
    %and3A_67 = arith.andi %add3A_61, %and3A_66 : vector<16xi32>
    tpu.vector_store_idx %arg8[%shift_right_arithmetic3A_64, %and3A_67], %gather3A : memref<129x128xi32, #tpu.memory_space<vmem>>[vector<16xi32>, vector<16xi32>], vector<16xi32>,
    %shift_right_arithmetic3A_68 = arith.constant 7 : i32
    %shift_right_arithmetic3A_69 = vector.broadcast %shift_right_arithmetic3A_68 : i32 to vector<16xi32>
    %shift_right_arithmetic3A_70 = arith.shrsi %add3A_61, %shift_right_arithmetic3A_69 : vector<16xi32>
    %and3A_71 = arith.constant 127 : i32
    %and3A_72 = vector.broadcast %and3A_71 : i32 to vector<16xi32>
    %and3A_73 = arith.andi %add3A_61, %and3A_72 : vector<16xi32>
    tpu.vector_store_idx %arg9[%shift_right_arithmetic3A_70, %and3A_73], %gather3A_27 : memref<129x128xi32, #tpu.memory_space<vmem>>[vector<16xi32>, vector<16xi32>], vector<16xi32>,
    %add3A_74 = arith.constant 48 : i32
    %add3A_75 = arith.addi %reduce_max3A_24, %add3A_74 : i32
    %add3A_76 = vector.broadcast %add3A_75 : i32 to vector<16xi32>
    %add3A_77 = arith.addi %add3A_76, %iota3A : vector<16xi32>
    %shift_right_arithmetic3A_78 = arith.constant 7 : i32
    %shift_right_arithmetic3A_79 = vector.broadcast %shift_right_arithmetic3A_78 : i32 to vector<16xi32>
    %shift_right_arithmetic3A_80 = arith.shrsi %add3A_77, %shift_right_arithmetic3A_79 : vector<16xi32>
    %and3A_81 = arith.constant 127 : i32
    %and3A_82 = vector.broadcast %and3A_81 : i32 to vector<16xi32>
    %and3A_83 = arith.andi %add3A_77, %and3A_82 : vector<16xi32>
    tpu.vector_store_idx %arg8[%shift_right_arithmetic3A_80, %and3A_83], %gather3A : memref<129x128xi32, #tpu.memory_space<vmem>>[vector<16xi32>, vector<16xi32>], vector<16xi32>,
    %shift_right_arithmetic3A_84 = arith.constant 7 : i32
    %shift_right_arithmetic3A_85 = vector.broadcast %shift_right_arithmetic3A_84 : i32 to vector<16xi32>
    %shift_right_arithmetic3A_86 = arith.shrsi %add3A_77, %shift_right_arithmetic3A_85 : vector<16xi32>
    %and3A_87 = arith.constant 127 : i32
    %and3A_88 = vector.broadcast %and3A_87 : i32 to vector<16xi32>
    %and3A_89 = arith.andi %add3A_77, %and3A_88 : vector<16xi32>
    tpu.vector_store_idx %arg9[%shift_right_arithmetic3A_86, %and3A_89], %gather3A_27 : memref<129x128xi32, #tpu.memory_space<vmem>>[vector<16xi32>, vector<16xi32>], vector<16xi32>,
    %add3A_90 = arith.constant 64 : i32
    %add3A_91 = arith.addi %reduce_max3A_24, %add3A_90 : i32
    %add3A_92 = vector.broadcast %add3A_91 : i32 to vector<16xi32>
    %add3A_93 = arith.addi %add3A_92, %iota3A : vector<16xi32>
    %shift_right_arithmetic3A_94 = arith.constant 7 : i32
    %shift_right_arithmetic3A_95 = vector.broadcast %shift_right_arithmetic3A_94 : i32 to vector<16xi32>
    %shift_right_arithmetic3A_96 = arith.shrsi %add3A_93, %shift_right_arithmetic3A_95 : vector<16xi32>
    %and3A_97 = arith.constant 127 : i32
    %and3A_98 = vector.broadcast %and3A_97 : i32 to vector<16xi32>
    %and3A_99 = arith.andi %add3A_93, %and3A_98 : vector<16xi32>
    tpu.vector_store_idx %arg8[%shift_right_arithmetic3A_96, %and3A_99], %gather3A : memref<129x128xi32, #tpu.memory_space<vmem>>[vector<16xi32>, vector<16xi32>], vector<16xi32>,
    %shift_right_arithmetic3A_100 = arith.constant 7 : i32
    %shift_right_arithmetic3A_101 = vector.broadcast %shift_right_arithmetic3A_100 : i32 to vector<16xi32>
    %shift_right_arithmetic3A_102 = arith.shrsi %add3A_93, %shift_right_arithmetic3A_101 : vector<16xi32>
    %and3A_103 = arith.constant 127 : i32
    %and3A_104 = vector.broadcast %and3A_103 : i32 to vector<16xi32>
    %and3A_105 = arith.andi %add3A_93, %and3A_104 : vector<16xi32>
    tpu.vector_store_idx %arg9[%shift_right_arithmetic3A_102, %and3A_105], %gather3A_27 : memref<129x128xi32, #tpu.memory_space<vmem>>[vector<16xi32>, vector<16xi32>], vector<16xi32>,
    %add3A_106 = arith.constant 80 : i32
    %add3A_107 = arith.addi %reduce_max3A_24, %add3A_106 : i32
    %add3A_108 = vector.broadcast %add3A_107 : i32 to vector<16xi32>
    %add3A_109 = arith.addi %add3A_108, %iota3A : vector<16xi32>
    %shift_right_arithmetic3A_110 = arith.constant 7 : i32
    %shift_right_arithmetic3A_111 = vector.broadcast %shift_right_arithmetic3A_110 : i32 to vector<16xi32>
    %shift_right_arithmetic3A_112 = arith.shrsi %add3A_109, %shift_right_arithmetic3A_111 : vector<16xi32>
    %and3A_113 = arith.constant 127 : i32
    %and3A_114 = vector.broadcast %and3A_113 : i32 to vector<16xi32>
    %and3A_115 = arith.andi %add3A_109, %and3A_114 : vector<16xi32>
    tpu.vector_store_idx %arg8[%shift_right_arithmetic3A_112, %and3A_115], %gather3A : memref<129x128xi32, #tpu.memory_space<vmem>>[vector<16xi32>, vector<16xi32>], vector<16xi32>,
    %shift_right_arithmetic3A_116 = arith.constant 7 : i32
    %shift_right_arithmetic3A_117 = vector.broadcast %shift_right_arithmetic3A_116 : i32 to vector<16xi32>
    %shift_right_arithmetic3A_118 = arith.shrsi %add3A_109, %shift_right_arithmetic3A_117 : vector<16xi32>
    %and3A_119 = arith.constant 127 : i32
    %and3A_120 = vector.broadcast %and3A_119 : i32 to vector<16xi32>
    %and3A_121 = arith.andi %add3A_109, %and3A_120 : vector<16xi32>
    tpu.vector_store_idx %arg9[%shift_right_arithmetic3A_118, %and3A_121], %gather3A_27 : memref<129x128xi32, #tpu.memory_space<vmem>>[vector<16xi32>, vector<16xi32>], vector<16xi32>,
    %add3A_122 = arith.constant 96 : i32
    %add3A_123 = arith.addi %reduce_max3A_24, %add3A_122 : i32
    %add3A_124 = vector.broadcast %add3A_123 : i32 to vector<16xi32>
    %add3A_125 = arith.addi %add3A_124, %iota3A : vector<16xi32>
    %shift_right_arithmetic3A_126 = arith.constant 7 : i32
    %shift_right_arithmetic3A_127 = vector.broadcast %shift_right_arithmetic3A_126 : i32 to vector<16xi32>
    %shift_right_arithmetic3A_128 = arith.shrsi %add3A_125, %shift_right_arithmetic3A_127 : vector<16xi32>
    %and3A_129 = arith.constant 127 : i32
    %and3A_130 = vector.broadcast %and3A_129 : i32 to vector<16xi32>
    %and3A_131 = arith.andi %add3A_125, %and3A_130 : vector<16xi32>
    tpu.vector_store_idx %arg8[%shift_right_arithmetic3A_128, %and3A_131], %gather3A : memref<129x128xi32, #tpu.memory_space<vmem>>[vector<16xi32>, vector<16xi32>], vector<16xi32>,
    %shift_right_arithmetic3A_132 = arith.constant 7 : i32
    %shift_right_arithmetic3A_133 = vector.broadcast %shift_right_arithmetic3A_132 : i32 to vector<16xi32>
    %shift_right_arithmetic3A_134 = arith.shrsi %add3A_125, %shift_right_arithmetic3A_133 : vector<16xi32>
    %and3A_135 = arith.constant 127 : i32
    %and3A_136 = vector.broadcast %and3A_135 : i32 to vector<16xi32>
    %and3A_137 = arith.andi %add3A_125, %and3A_136 : vector<16xi32>
    tpu.vector_store_idx %arg9[%shift_right_arithmetic3A_134, %and3A_137], %gather3A_27 : memref<129x128xi32, #tpu.memory_space<vmem>>[vector<16xi32>, vector<16xi32>], vector<16xi32>,
    %add3A_138 = arith.constant 112 : i32
    %add3A_139 = arith.addi %reduce_max3A_24, %add3A_138 : i32
    %add3A_140 = vector.broadcast %add3A_139 : i32 to vector<16xi32>
    %add3A_141 = arith.addi %add3A_140, %iota3A : vector<16xi32>
    %shift_right_arithmetic3A_142 = arith.constant 7 : i32
    %shift_right_arithmetic3A_143 = vector.broadcast %shift_right_arithmetic3A_142 : i32 to vector<16xi32>
    %shift_right_arithmetic3A_144 = arith.shrsi %add3A_141, %shift_right_arithmetic3A_143 : vector<16xi32>
    %and3A_145 = arith.constant 127 : i32
    %and3A_146 = vector.broadcast %and3A_145 : i32 to vector<16xi32>
    %and3A_147 = arith.andi %add3A_141, %and3A_146 : vector<16xi32>
    tpu.vector_store_idx %arg8[%shift_right_arithmetic3A_144, %and3A_147], %gather3A : memref<129x128xi32, #tpu.memory_space<vmem>>[vector<16xi32>, vector<16xi32>], vector<16xi32>,
    %shift_right_arithmetic3A_148 = arith.constant 7 : i32
    %shift_right_arithmetic3A_149 = vector.broadcast %shift_right_arithmetic3A_148 : i32 to vector<16xi32>
    %shift_right_arithmetic3A_150 = arith.shrsi %add3A_141, %shift_right_arithmetic3A_149 : vector<16xi32>
    %and3A_151 = arith.constant 127 : i32
    %and3A_152 = vector.broadcast %and3A_151 : i32 to vector<16xi32>
    %and3A_153 = arith.andi %add3A_141, %and3A_152 : vector<16xi32>
    tpu.vector_store_idx %arg9[%shift_right_arithmetic3A_150, %and3A_153], %gather3A_27 : memref<129x128xi32, #tpu.memory_space<vmem>>[vector<16xi32>, vector<16xi32>], vector<16xi32>,
    %add3A_154 = arith.constant 128 : i32
    %add3A_155 = arith.addi %reduce_max3A_24, %add3A_154 : i32
    %sub3A = arith.constant 1 : i32
    %sub3A_156 = arith.subi %add3A_155, %sub3A : i32
    %shift_right_arithmetic3A_157 = arith.constant 7 : i32
    %shift_right_arithmetic3A_158 = arith.shrsi %sub3A_156, %shift_right_arithmetic3A_157 : i32
    %while3A = arith.constant 0 : i32
    %while3A_159 = arith.constant 0 : i32
    %while3A_160 = arith.subi %shift_right_arithmetic3A_158, %while3A_159 : i32
    %while3A_161 = arith.addi %while3A_159, %while3A_160 : i32
    %while3A_162 = arith.constant 1 : i32
    %while3A_163 = arith.divsi %while3A_160, %while3A_162 : i32
    %while3A_164 = arith.muli %while3A_163, %while3A_162 : i32
    %while3A_165 = arith.addi %while3A_159, %while3A_164 : i32
    %while3A_166 = arith.constant 1 : i32
    scf.for %while3A_168 = %while3A_159 to %while3A_165 step %while3A_166  : i32 {
      %dma_start3A = arith.constant 0 : i32
      %dma_start3A_169 = tpu.memref_slice %arg9[%while3A_168, %dma_start3A] : memref<129x128xi32, #tpu.memory_space<vmem>> -> memref<1x128xi32, #tpu.memory_space<vmem>>
      %dma_start3A_170 = tpu.memref_squeeze %dma_start3A_169 : memref<1x128xi32, #tpu.memory_space<vmem>> -> memref<128xi32, #tpu.memory_space<vmem>>
      %dma_start3A_171 = arith.constant 0 : i32
      %dma_start3A_172 = arith.constant 0 : i32
      %dma_start3A_173 = tpu.memref_slice %arg3[%dma_start3A_171, %dma_start3A_172] : memref<16384x64xf32, #tpu.memory_space<hbm>> -> memref<16384x64xf32, #tpu.memory_space<hbm>>
      tpu.enqueue_indirect_dma source(%dma_start3A_173 : memref<16384x64xf32, #tpu.memory_space<hbm>>) target(%arg10 : memref<128x64xf32, #tpu.memory_space<vmem>>) offsets(%dma_start3A_170 : memref<128xi32, #tpu.memory_space<vmem>>) semaphore(%arg11 : memref<!tpu.dma_semaphore, #tpu.memory_space<semaphore_mem>>)
      %dma_wait3A = arith.constant 0 : i32
      %dma_wait3A_174 = tpu.memref_slice %arg9[%while3A_168, %dma_wait3A] : memref<129x128xi32, #tpu.memory_space<vmem>> -> memref<1x128xi32, #tpu.memory_space<vmem>>
      %dma_wait3A_175 = tpu.memref_squeeze %dma_wait3A_174 : memref<1x128xi32, #tpu.memory_space<vmem>> -> memref<128xi32, #tpu.memory_space<vmem>>
      %dma_wait3A_176 = arith.constant 0 : i32
      %dma_wait3A_177 = arith.constant 0 : i32
      %dma_wait3A_178 = tpu.memref_slice %arg3[%dma_wait3A_176, %dma_wait3A_177] : memref<16384x64xf32, #tpu.memory_space<hbm>> -> memref<16384x64xf32, #tpu.memory_space<hbm>>
      tpu.wait_indirect_dma semaphore(%arg11 : memref<!tpu.dma_semaphore, #tpu.memory_space<semaphore_mem>>) src(%dma_wait3A_178 : memref<16384x64xf32, #tpu.memory_space<hbm>>) dst(%arg10 : memref<128x64xf32, #tpu.memory_space<vmem>>)
      %dma_start3A_179 = arith.constant 0 : i32
      %dma_start3A_180 = tpu.memref_slice %arg8[%while3A_168, %dma_start3A_179] : memref<129x128xi32, #tpu.memory_space<vmem>> -> memref<1x128xi32, #tpu.memory_space<vmem>>
      %dma_start3A_181 = tpu.memref_squeeze %dma_start3A_180 : memref<1x128xi32, #tpu.memory_space<vmem>> -> memref<128xi32, #tpu.memory_space<vmem>>
      %dma_start3A_182 = arith.constant 0 : i32
      %dma_start3A_183 = arith.constant 0 : i32
      %dma_start3A_184 = tpu.memref_slice %arg4[%dma_start3A_182, %dma_start3A_183] : memref<16384x64xf32, #tpu.memory_space<hbm>> -> memref<16384x64xf32, #tpu.memory_space<hbm>>
      tpu.enqueue_indirect_dma source(%arg10 : memref<128x64xf32, #tpu.memory_space<vmem>>) target(%dma_start3A_184 : memref<16384x64xf32, #tpu.memory_space<hbm>>) offsets(%dma_start3A_181 : memref<128xi32, #tpu.memory_space<vmem>>) semaphore(%arg11 : memref<!tpu.dma_semaphore, #tpu.memory_space<semaphore_mem>>)
      %dma_wait3A_185 = arith.constant 0 : i32
      %dma_wait3A_186 = tpu.memref_slice %arg8[%while3A_168, %dma_wait3A_185] : memref<129x128xi32, #tpu.memory_space<vmem>> -> memref<1x128xi32, #tpu.memory_space<vmem>>
      %dma_wait3A_187 = tpu.memref_squeeze %dma_wait3A_186 : memref<1x128xi32, #tpu.memory_space<vmem>> -> memref<128xi32, #tpu.memory_space<vmem>>
      %dma_wait3A_188 = arith.constant 0 : i32
      %dma_wait3A_189 = arith.constant 0 : i32
      %dma_wait3A_190 = tpu.memref_slice %arg4[%dma_wait3A_188, %dma_wait3A_189] : memref<16384x64xf32, #tpu.memory_space<hbm>> -> memref<16384x64xf32, #tpu.memory_space<hbm>>
      tpu.wait_indirect_dma semaphore(%arg11 : memref<!tpu.dma_semaphore, #tpu.memory_space<semaphore_mem>>) src(%arg10 : memref<128x64xf32, #tpu.memory_space<vmem>>) dst(%dma_wait3A_190 : memref<16384x64xf32, #tpu.memory_space<hbm>>)
    }
    %while3A_167 = arith.constant 1 : i32
    scf.for %while3A_168 = %while3A_165 to %while3A_161 step %while3A_167  : i32 {
      %dma_start3A = arith.constant 0 : i32
      %dma_start3A_169 = tpu.memref_slice %arg9[%while3A_168, %dma_start3A] : memref<129x128xi32, #tpu.memory_space<vmem>> -> memref<1x128xi32, #tpu.memory_space<vmem>>
      %dma_start3A_170 = tpu.memref_squeeze %dma_start3A_169 : memref<1x128xi32, #tpu.memory_space<vmem>> -> memref<128xi32, #tpu.memory_space<vmem>>
      %dma_start3A_171 = arith.constant 0 : i32
      %dma_start3A_172 = arith.constant 0 : i32
      %dma_start3A_173 = tpu.memref_slice %arg3[%dma_start3A_171, %dma_start3A_172] : memref<16384x64xf32, #tpu.memory_space<hbm>> -> memref<16384x64xf32, #tpu.memory_space<hbm>>
      tpu.enqueue_indirect_dma source(%dma_start3A_173 : memref<16384x64xf32, #tpu.memory_space<hbm>>) target(%arg10 : memref<128x64xf32, #tpu.memory_space<vmem>>) offsets(%dma_start3A_170 : memref<128xi32, #tpu.memory_space<vmem>>) semaphore(%arg11 : memref<!tpu.dma_semaphore, #tpu.memory_space<semaphore_mem>>)
      %dma_wait3A = arith.constant 0 : i32
      %dma_wait3A_174 = tpu.memref_slice %arg9[%while3A_168, %dma_wait3A] : memref<129x128xi32, #tpu.memory_space<vmem>> -> memref<1x128xi32, #tpu.memory_space<vmem>>
      %dma_wait3A_175 = tpu.memref_squeeze %dma_wait3A_174 : memref<1x128xi32, #tpu.memory_space<vmem>> -> memref<128xi32, #tpu.memory_space<vmem>>
      %dma_wait3A_176 = arith.constant 0 : i32
      %dma_wait3A_177 = arith.constant 0 : i32
      %dma_wait3A_178 = tpu.memref_slice %arg3[%dma_wait3A_176, %dma_wait3A_177] : memref<16384x64xf32, #tpu.memory_space<hbm>> -> memref<16384x64xf32, #tpu.memory_space<hbm>>
      tpu.wait_indirect_dma semaphore(%arg11 : memref<!tpu.dma_semaphore, #tpu.memory_space<semaphore_mem>>) src(%dma_wait3A_178 : memref<16384x64xf32, #tpu.memory_space<hbm>>) dst(%arg10 : memref<128x64xf32, #tpu.memory_space<vmem>>)
      %dma_start3A_179 = arith.constant 0 : i32
      %dma_start3A_180 = tpu.memref_slice %arg8[%while3A_168, %dma_start3A_179] : memref<129x128xi32, #tpu.memory_space<vmem>> -> memref<1x128xi32, #tpu.memory_space<vmem>>
      %dma_start3A_181 = tpu.memref_squeeze %dma_start3A_180 : memref<1x128xi32, #tpu.memory_space<vmem>> -> memref<128xi32, #tpu.memory_space<vmem>>
      %dma_start3A_182 = arith.constant 0 : i32
      %dma_start3A_183 = arith.constant 0 : i32
      %dma_start3A_184 = tpu.memref_slice %arg4[%dma_start3A_182, %dma_start3A_183] : memref<16384x64xf32, #tpu.memory_space<hbm>> -> memref<16384x64xf32, #tpu.memory_space<hbm>>
      tpu.enqueue_indirect_dma source(%arg10 : memref<128x64xf32, #tpu.memory_space<vmem>>) target(%dma_start3A_184 : memref<16384x64xf32, #tpu.memory_space<hbm>>) offsets(%dma_start3A_181 : memref<128xi32, #tpu.memory_space<vmem>>) semaphore(%arg11 : memref<!tpu.dma_semaphore, #tpu.memory_space<semaphore_mem>>)
      %dma_wait3A_185 = arith.constant 0 : i32
      %dma_wait3A_186 = tpu.memref_slice %arg8[%while3A_168, %dma_wait3A_185] : memref<129x128xi32, #tpu.memory_space<vmem>> -> memref<1x128xi32, #tpu.memory_space<vmem>>
      %dma_wait3A_187 = tpu.memref_squeeze %dma_wait3A_186 : memref<1x128xi32, #tpu.memory_space<vmem>> -> memref<128xi32, #tpu.memory_space<vmem>>
      %dma_wait3A_188 = arith.constant 0 : i32
      %dma_wait3A_189 = arith.constant 0 : i32
      %dma_wait3A_190 = tpu.memref_slice %arg4[%dma_wait3A_188, %dma_wait3A_189] : memref<16384x64xf32, #tpu.memory_space<hbm>> -> memref<16384x64xf32, #tpu.memory_space<hbm>>
      tpu.wait_indirect_dma semaphore(%arg11 : memref<!tpu.dma_semaphore, #tpu.memory_space<semaphore_mem>>) src(%arg10 : memref<128x64xf32, #tpu.memory_space<vmem>>) dst(%dma_wait3A_190 : memref<16384x64xf32, #tpu.memory_space<hbm>>)
    }
    return
  }
}

</mosaic_0001>

<sc_bundles>
// kernel: _run.3.cloned.1.call-start
scs
__scs_entry_jumppad:
0x0: {  	(pc) =	sbr.rel $0x88, $3  }
0x1: {  	(tag) =	ssettag $0x0;
	lr =	simm.s32 $0x1  }
0x2: {  	[smem:$0x3F9F] =	sst lr;
	_ =	strace $0xD0000000  }
0x3: {  	_ = 	snop  }
0x4: {  	_ = 	snop  }
0x5: {  	_ = 	snop  }
0x6: {  	_ = 	snop  }
0x7: {  	_ = 	snop  }
__scs_overlays_trampoline_lowered:
0x8: {  	[smem:$0x3FAE] =	sst s0  }
0x9: {  	[smem:$0x3FAF] =	sst s1  }
0xa: {  	[smem:$0x3FB0] =	sst s2  }
0xb: {  	[smem:$0x3FB1] =	sst s3  }
0xc: {  	[smem:$0x3FB2] =	sst s4  }
0xd: {  	[smem:$0x3FB3] =	sst s5  }
0xe: {  	[smem:$0x3FB4] =	sst s6  }
0xf: {  	[smem:$0x3FB5] =	sst s7  }
0x10: {  	[smem:$0x3FB6] =	sst s8  }
0x11: {  	[smem:$0x3FB7] =	sst s9;
	s0 =	simm.s32 @!p0 $0x0  }
0x12: {  	s1 =	sld [smem:$0x3F9D];
	s0 =	simm.s32 @p0 $0x1  }
0x13: {  	[smem:$0x3FB8] =	sst s0;
	s0 =	simm.s32 @!p1 $0x0  }
0x14: {  	s2 =	sld [smem:$0x3F9C];
	s0 =	simm.s32 @p1 $0x1  }
0x15: {  	[smem:$0x3FB9] =	sst s0;
	s0 =	simm.s32 @!p2 $0x0  }
0x16: {  	s3 =	sld [smem:$0x3FDB];
	s0 =	simm.s32 @p2 $0x1  }
0x17: {  	s4 =	simm.s32 $0x1BF5;
	[smem:$0x3FBB] =	sst s0  }
0x18: {  	s0 =	sld [smem:$0x3F9E];
	_ =	swait.ge [sflag:s4], $0x0  }
0x19: {  	s7 =	sld [smem:$0x3F9F]  }
0x1a: {  	s8 =	sadd.s32 $0xFFFFE003, lr  }
0x1b: {  	s9 =	sadd.s32 $0xFFFFFEF7, lr;
	s5 =	simm.s32 $0xFFFFFFFF;
	p2 =	slt.u32 s8, $0xFFFFF086  }
0x1c: {  	p1 =	slt.u32 s9, $0xF7A;
	s5 =	simm.s32 @!p2 $0x0  }
0x1d: {  	s5 =	simm.s32 @p1 $0x1;
	p0 =	seq.s32 s7, s2  }
0x1e: {  	s7 =	smul.u32 @!p0 $0xF7A, s2;
	p2 =	seq.s32 @!p0 s5, $0x0  }
0x1f: {  	s9 =	smul.u32 $0xF7A, s1;
	s8 =	simm.s32 @!p0 $0x1BF5;
	p2 =	por !p2, p0  }
0x20: {  	[sflag:s8] =	ssyncset.s32 @!p0 $0xFFFFF086;
	s6 =	sadd.s32 @!p0 s3, s7;
	s7 =	simm.s32 @!p0 $0x108  }
0x21: {  	s3 =	sadd.s32 s3, s9;
	s6 =	sadd.s32 @!p0 $0x88, s6;
	s7 =	simm.s32 @p2 $0x1082  }
0x22: {  	[simem:s7], [sflag:s8] =	dma.local @!p0 [hbm:s6], $0xF7A  }
0x23: {  	s9 =	sor.u32 $0xD0000000, s2;
	s6 =	simm.s32 $0x108;
	_ =	swait.ge @!p0 [sflag:s8], $0x0  }
0x24: {  	s3 =	sadd.s32 $0x88, s3;
	s6 =	simm.s32 @!p1 $0x1082;
	[sflag:s4] =	ssyncset.s32 $0xFFFFF086  }
0x25: {  	[simem:s6], [sflag:s4] =	dma.local [hbm:s3], $0xF7A  }
0x26: {  	[smem:$0x3F9F] =	sst s1;
	(tag) =	ssettag s2;
	_ =	strace s9  }
0x27: {  	s1 =	sld [smem:$0x3FAF]  }
0x28: {  	s2 =	sld [smem:$0x3FB0]  }
0x29: {  	s4 =	sld [smem:$0x3FB2]  }
0x2a: {  	p0 =	seq.s32 s5, $0x0;
	s5 =	sld [smem:$0x3FB3]  }
0x2b: {  	s6 =	sld [smem:$0x3FB4]  }
0x2c: {  	s7 =	sld [smem:$0x3FB5]  }
0x2d: {  	s3 =	simm.s32 $0x108;
	s8 =	sld [smem:$0x3FB6]  }
0x2e: {  	s3 =	simm.s32 @!p0 $0x1082;
	s9 =	sld [smem:$0x3FB7]  }
0x2f: {  	lr =	sadd.s32 s0, s3;
	s0 =	sld [smem:$0x3FAE]  }
0x30: {  	s3 =	sld [smem:$0x3FB1]  }
0x31: {  	[smem:$0x3FBA] =	sst s10  }
0x32: {  	s10 =	sld [smem:$0x3FB8];
	_ =	sdelay $0x3  }
0x33: {  	p0 =	seq.s32 s10, $0x1;
	s10 =	sld [smem:$0x3FBA];
	_ =	sdelay $0x3  }
0x34: {  	[smem:$0x3FBA] =	sst s10  }
0x35: {  	s10 =	sld [smem:$0x3FB9];
	_ =	sdelay $0x3  }
0x36: {  	p1 =	seq.s32 s10, $0x1;
	s10 =	sld [smem:$0x3FBA];
	_ =	sdelay $0x3  }
0x37: {  	[smem:$0x3FBA] =	sst s10  }
0x38: {  	s10 =	sld [smem:$0x3FBB]  }
0x39: {  	_ = 	snop;
	(pc) =	sbr.ind lr, $3  }
0x3a: {  	_ = 	snop  }
0x3b: {  	_ = 	snop  }
0x3c: {  	p2 =	seq.s32 s10, $0x1;
	s10 =	sld [smem:$0x3FBA]  }
0x3d: {  	_ =	shalt  }
0x3e: {  	_ =	shalt  }
0x3f: {  	_ =	shalt  }
0x40: {  	_ =	shalt  }
0x41: {  	_ =	shalt  }
0x42: {  	_ =	shalt  }
0x43: {  	_ =	shalt  }
0x44: {  	_ =	shalt  }
0x45: {  	_ =	shalt  }
0x46: {  	_ =	shalt  }
0x47: {  	_ =	shalt  }
0x48: {  	_ =	shalt  }
0x49: {  	_ =	shalt  }
0x4a: {  	_ =	shalt  }
0x4b: {  	_ =	shalt  }
0x4c: {  	_ =	shalt  }
0x4d: {  	_ =	shalt  }
0x4e: {  	_ =	shalt  }
0x4f: {  	_ =	shalt  }
0x50: {  	_ =	shalt  }
0x51: {  	_ =	shalt  }
0x52: {  	_ =	shalt  }
0x53: {  	_ =	shalt  }
0x54: {  	_ =	shalt  }
0x55: {  	_ =	shalt  }
0x56: {  	_ =	shalt  }
0x57: {  	_ =	shalt  }
0x58: {  	_ =	shalt  }
0x59: {  	_ =	shalt  }
0x5a: {  	_ =	shalt  }
0x5b: {  	_ =	shalt  }
0x5c: {  	_ =	shalt  }
0x5d: {  	_ =	shalt  }
0x5e: {  	_ =	shalt  }
0x5f: {  	_ =	shalt  }
0x60: {  	_ =	shalt  }
0x61: {  	_ =	shalt  }
0x62: {  	_ =	shalt  }
0x63: {  	_ =	shalt  }
0x64: {  	_ =	shalt  }
0x65: {  	_ =	shalt  }
0x66: {  	_ =	shalt  }
0x67: {  	_ =	shalt  }
0x68: {  	_ =	shalt  }
0x69: {  	_ =	shalt  }
0x6a: {  	_ =	shalt  }
0x6b: {  	_ =	shalt  }
0x6c: {  	_ =	shalt  }
0x6d: {  	_ =	shalt  }
0x6e: {  	_ =	shalt  }
0x6f: {  	_ =	shalt  }
0x70: {  	_ =	shalt  }
0x71: {  	_ =	shalt  }
0x72: {  	_ =	shalt  }
0x73: {  	_ =	shalt  }
0x74: {  	_ =	shalt  }
0x75: {  	_ =	shalt  }
0x76: {  	_ =	shalt  }
0x77: {  	_ =	shalt  }
0x78: {  	_ =	shalt  }
0x79: {  	_ =	shalt  }
0x7a: {  	_ =	shalt  }
0x7b: {  	_ =	shalt  }
0x7c: {  	_ =	shalt  }
0x7d: {  	_ =	shalt  }
0x7e: {  	_ =	shalt  }
0x7f: {  	_ =	shalt  }
0x80: {  	_ =	shalt  }
0x81: {  	_ =	shalt  }
0x82: {  	_ =	shalt  }
0x83: {  	_ =	shalt  }
0x84: {  	_ =	shalt  }
0x85: {  	_ =	shalt  }
0x86: {  	_ =	shalt  }
0x87: {  	_ =	shalt  }
.Lfunc_end0:
.L_simem_size_0:
called_computation_lowered:
.L_overlay_start_0:
0x88: {  	s2 =	sld [smem:$0x3FD9]  }
0x89: {  	s3 =	sld [smem:$0x3FFE];
	_ =	sdelay $0x1  }
0x8a: {  	s1 =	srdreg.scid  }
0x8b: {  	s0 =	sand.u32 $0x1, s1  }
0x8c: {  	s17 =	sshll.u32 s0, $0xA;
	s2 =	sadd.s32 s3, s2  }
0x8d: {  	s2 =	sadd.s32 s2, s17  }
0x8e: {  	[smem:$0x3FC6] =	sst s2  }
0x8f: {  	_ = 	snop  }
0x90: {  	s2 =	sld [smem:$0x3FC9]  }
0x91: {  	s18 =	sld [smem:$0x3FD0];
	(tm) =	ssettm $0x1  }
0x92: {  	s4 =	sld [smem:$0x3FFB];
	_ =	sdelay $0x3  }
0x93: {  	_ =	strace s4  }
0x94: {  	s4 =	sld [smem:$0x3FFC];
	_ =	sdelay $0x3  }
0x95: {  	_ =	strace s4  }
0x96: {  	s4 =	sld [smem:$0x3FFD];
	_ =	sdelay $0x3  }
0x97: {  	_ =	strace s4  }
0x98: {  	_ =	strace $0x8FFFFFFF  }
0x99: {  	s19 =	sld [smem:$0x3FDB];
	_ =	sdelay $0x1  }
0x9a: {  	s5 =	simm.s32 $_scs_section_size  }
0x9b: {  	s6 =	simm.s32 $_size__tile_overlayer_lowered;
	s7 =	simm.s32 $_tile_overlayer_lowered  }
0x9c: {  	s22 =	simm.s32 $0x1BFF;
	s21 =	sshll.u32 s7, $0x1;
	s4 =	sadd.s32 s5, s19  }
0x9d: {  	s8 =	simm.s32 $0x0;
	s20 =	sshll.u32 s6, $0x1;
	s6 =	sadd.s32 s21, s4  }
0x9e: {  	[timem:s8], [sflag:s22] =	dma.local [hbm:s6], s20  }
0x9f: {  	_ =	swait.ge [sflag:s22], s20  }
0xa0: {  	s5 =	ssub.s32 $0x0, s20;
	[sflag:s22] =	ssyncset.done $0x0  }
0xa1: {  	[sflag:s22] =	ssyncadd.s32 s5;
	_ =	sdelay $0x1  }
0xa2: {  	s23 =	simm.s32 $0x1B8B  }
0xa3: {  	_ =	swait.ge [sflag:s23], $0x1  }
0xa4: {  	[sflag:s23] =	ssyncset.done $0x0  }
0xa5: {  	s25 =	simm.s32 $0x1B8E;
	s24 =	sld [smem:$0x3FFE];
	[sflag:s23] =	ssyncadd.s32 $0xFFFFFFFF  }
0xa6: {  	s26 =	simm.s32 $execute0_lowered;
	[smem:$0x3FD2] =	sst s25  }
0xa7: {  	s6 =	sshll.u32 s26, $0x1;
	_ =	strace $0x80000046;
	[dreg:$0x1] =	wrdreg $0xFFFFFFFF  }
0xa8: {  	s28 =	simm.s32 $_size_execute0_lowered;
	s4 =	sadd.s32 s4, s6;
	[dreg:$0x0] =	wrdreg $0x0  }
0xa9: {  	s6 =	sshll.u32 s28, $0x1;
	[dreg:$0x2] =	wrdreg s4  }
0xaa: {  	[dreg:$0x3] =	wrdreg s6  }
0xab: {  	[dreg:$0x4] =	wrdreg $0xC0  }
0xac: {  	_ =	task [dreg:s8], $0x5FFFF  }
0xad: {  	[dreg:$0x1] =	wrdreg $0xFFFFFFFF  }
0xae: {  	[dreg:$0x0] =	wrdreg $0x60  }
0xaf: {  	[dreg:$0x2] =	wrdreg s2  }
0xb0: {  	[dreg:$0x3] =	wrdreg s18  }
0xb1: {  	[dreg:$0x4] =	wrdreg s24  }
0xb2: {  	[dreg:$0x5] =	wrdreg $0x9  }
0xb3: {  	_ =	task.clear_ibuf [dreg:s8], $0x6FFFF;
	_ =	strace $0x90000046  }
0xb4: {  	s29 =	simm.s32 $0x9;
	_ =	strace $0x80000048  }
0xb5: {  	_ =	swait.ge [sflag:s29], $0x1  }
0xb6: {  	[sflag:s29] =	ssyncadd.s32 $0xFFFFFFFF  }
0xb7: {  	_ =	strace $0x90000048  }
0xb8: {  	_ =	sfence  }
0xb9: {  	s30 =	sld [smem:$0x0];
	_ =	sdelay $0x2  }
0xba: {  	s31 =	sshll.u32 s1, $0xD;
	s1 =	sshrl.u32 s1, $0x2  }
0xbb: {  	s3 =	sand.u32 $0x4000, s31;
	s1 =	sadd.s32 s1, s30  }
0xbc: {  	s0 =	sor.u32 s3, s0;
	s1 =	sshll.u32 s1, $0x11  }
0xbd: {  	s0 =	sor.u32 s1, s0  }
0xbe: {  	s0 =	sadd.s32 $0x8F2B, s0  }
0xbf: {  	[sflag:s0] =	ssyncadd.remote.s32 $0x1  }
0xc0: {  	_ =	sfence.sel $0xFFFF  }
0xc1: {  	[dreg:$0x0] =	wrdreg $0xFFFFFFFF;
	(pc) =	sbr.abs _section_cstart, $3  }
0xc2: {  	[dreg:$0x1] =	wrdreg $0xFFFFFFFF  }
0xc3: {  	_ =	task.clear_ibuf [dreg:s8], $0x2FFFF;
	_ =	strace $0x9FFFFFFF  }
0xc4: {  	(tm) =	ssettm $0x7FFFFFFF  }
0xc5: {  	_ =	shalt  }
tec
execute0_lowered:
.L_overlay_start_1:
0x0: {  	(tag) =	ssettag $0x1  }
0x1: {  	s1 =	rddreg [dreg:$0x0]  }
0x2: {  	s2 =	srdreg.scid;
	s3 =	rddreg [dreg:$0x1]  }
0x3: {  	s0 =	stileid.u32;
	s5 =	rddreg [dreg:$0x2];
	s8 =	simm.s32 $0x4000  }
0x4: {  	s11 =	simm.s32 $0x80;
	s12 =	simm.s32 $0x13B40;
	s13 =	simm.s32 $0x1  }
0x5: {  	s14 =	simm.s32 $0x0;
	s2 =	sand.u32 $0x1, s2;
	s4 =	sshll.u32 s0, $0x1  }
.Ltmp0:
0x6: {  	s6 =	ssub.s32 $0x2, s2;
	s4 =	sor.u32 s2, s4;
	(pc) =	sbr.rel .LBB2_1-.Ltmp0, $4  }
0x7: {  	s2 =	rddreg [dreg:$0x3];
	s7 =	sshrl.u32 s6, $0x1;
	s9 =	smul.u32 $0x7A20, s4  }
0x8: {  	_ =	strace $0x80000047;
	s4 =	sadd.s32 $0x400, s5;
	s6 =	ssub.s32 s6, s7  }
0x9: {  	v2 =	vimm.s32 $0xFFFFFFFF;
	v3 =	vlaneseq.u32;
	s7 =	simm.s32 $0x2;
	s10 =	sadd.s32 $0x7A20, s9;
	s5 =	smax.u32 s6, $0x1  }
0xa: {  	v4 =	vimm.s32 $0x0;
	s6 =	simm.s32 $0x0;
	v0 =	vmov s9;
	s9 =	simm.s32 $0xBA40;
	v1 =	vmov s10;
	s10 =	simm.s32 $0xFAC0  }
.LBB2_8:
0xb: {  	[sflag:s13] =	ssyncadd.s32 $0xFFFFE000  }
.LBB2_9:
0xc: {  	s14 =	sadd.s32 $0x1, s14  }
0xd: {  	p0 =	sne.s32 s14, s5  }
.Ltmp1:
0xe: {  	_ = 	snop;
	(pc) =	sbr.rel @!p0 .LBB2_10-.Ltmp1, $1  }
0xf: {  	_ =	sdelay $0x3  }
.LBB2_1:
0x10: {  	[tilespmem:s6], [sflag:$0x2] =	stream.linear.gather [hbm4b:s1+s6], $0x4000, $0x38;
	[tilespmem:$0x15B40] =	vst v63  }
0x11: {  	_ =	swait.ge [sflag:s7], $0x4000  }
0x12: {  	[sflag:s7] =	ssyncset.done $0x0  }
0x13: {  	[sflag:s7] =	ssyncadd.s32 $0xFFFFC000  }
0x14: {  	s15 =	simm.s32 $0x0;
	s16 =	simm.s32 $0x0;
	[tilespmem:$0xBA30] =	vst v2  }
.LBB2_2:
0x15: {  	v5 =	vld [tilespmem:s15+$0x0];
	_ =	sdelay $0x4  }
0x16: {  	[tilespmem:$0xBA20] =	vst v5  }
0x17: {  	v6 =	vld [tilespmem:$0xBA21]  }
0x18: {  	v7 =	vld [tilespmem:$0xBA22]  }
0x19: {  	v8 =	vld [tilespmem:$0xBA23]  }
0x1a: {  	v9 =	vld [tilespmem:$0xBA24]  }
0x1b: {  	vm0 =	vge.s32 v5, v0;
	vm1 =	vlt.s32 v5, v1;
	v10 =	vld [tilespmem:$0xBA25]  }
0x1c: {  	vm0 =	vmand vm0, vm1;
	vm13 =	vne.s32 v5, v6;
	v6 =	vld [tilespmem:$0xBA26]  }
0x1d: {  	vm14 =	vne.s32 v5, v7;
	v7 =	vld [tilespmem:$0xBA27];
	vm0 =	vmand vm0, vm13  }
0x1e: {  	v58 =	vld [tilespmem:$0xBA28];
	vm15 =	vne.s32 v5, v8;
	vm0 =	vmand vm0, vm14  }
0x1f: {  	v59 =	vld [tilespmem:$0xBA29];
	vm4 =	vne.s32 v5, v9;
	vm0 =	vmand vm0, vm15  }
0x20: {  	v60 =	vld [tilespmem:$0xBA2A];
	vm5 =	vne.s32 v5, v10;
	vm0 =	vmand vm0, vm4  }
0x21: {  	vm0 =	vmand vm0, vm5;
	vm6 =	vne.s32 v5, v6;
	v6 =	vld [tilespmem:$0xBA2B]  }
0x22: {  	vm7 =	vne.s32 v5, v7;
	v7 =	vld [tilespmem:$0xBA2C];
	vm0 =	vmand vm0, vm6  }
0x23: {  	v61 =	vld [tilespmem:$0xBA2D];
	vm8 =	vne.s32 v5, v58;
	vm0 =	vmand vm0, vm7  }
0x24: {  	v62 =	vld [tilespmem:$0xBA2E];
	vm9 =	vne.s32 v5, v59;
	vm0 =	vmand vm0, vm8  }
0x25: {  	v63 =	vld [tilespmem:$0xBA2F];
	vm10 =	vne.s32 v5, v60;
	vm0 =	vmand vm0, vm9  }
0x26: {  	vm0 =	vmand vm0, vm10;
	vm11 =	vne.s32 v5, v6  }
0x27: {  	vm12 =	vne.s32 v5, v7;
	vm0 =	vmand vm0, vm11  }
0x28: {  	vm13 =	vne.s32 v5, v61;
	vm0 =	vmand vm0, vm12  }
0x29: {  	vm14 =	vne.s32 v5, v62;
	vm0 =	vmand vm0, vm13  }
0x2a: {  	vm15 =	vne.s32 v5, v63;
	vm0 =	vmand vm0, vm14  }
0x2b: {  	v5 =	vsub.s32 v5, v0;
	vm0 =	vmand vm0, vm15  }
0x2c: {  	p0 =	sne.s32 s16, $0x3FF0;
	v5 =	vnsel vm0, $0x0, v5  }
.Ltmp2:
0x2d: {  	_ = 	snop;
	(pc) =	sbr.rel @p0 .LBB2_2-.Ltmp2, $3  }
0x2e: {  	_ =	sdelay $0x1  }
0x2f: {  	v6 =	vor.u32 s16, v3  }
0x30: {  	s15 =	sadd.s32 $0x10, s15;
	s16 =	sadd.s32 $0x10, s16;
	[tilespmem:v5+s8+$0x0] =	vst.idx.msk vm0, v6  }
0x31: {  	s15 =	simm.s32 $0x0  }
0x32: {  	v7 =	vld [tilespmem:s15+$0x0]  }
0x33: {  	v6 =	vimm.s32 $0x0;
	s16 =	simm.s32 $0x10;
	v5 =	vimm.s32 $0x0;
	s17 =	simm.s32 $0x0  }
.LBB2_4:
0x34: {  	p0 =	sne.s32 s16, $0x3FF0;
	_ =	sdelay $0x2  }
0x35: {  	vm0 =	vge.s32 v7, v0;
	vm1 =	vlt.s32 v7, v1  }
0x36: {  	vm0 =	vmand vm0, vm1  }
0x37: {  	v8 =	vsel vm0, $0x1, v4;
	v9 =	vmpcnt.ones.xlane vm0  }
0x38: {  	(xrf0) =	vadd.scan.msk.s32 $0xffff, v8  }
0x39: {  	v6 =	vadd.s32 v6, v9;
	_ =	sdelay $0x1  }
0x3a: {  	v7 =	vsub.s32 v7, v0  }
0x3b: {  	v7 =	vnsel vm0, $0x0, v7;
	_ =	sdelay $0x1  }
0x3c: {  	v8, _, _ =	vpop (xrf0)  }
0x3d: {  	v8 =	vadd.s32 v8, v5;
	v5 =	vmov v6  }
0x3e: {  	v8 =	vadd.s32 $0xFFFFFFFF, v8  }
0x3f: {  	v7 =	vld.idx.msk [tilespmem:v7+s8+$0x0], vm0;
	v8 =	vnsel vm0, $0x0, v8;
	_ =	sdelay $0x3  }
.Ltmp3:
0x40: {  	v9 =	vor.u32 s15, v3;
	s15 =	smov.u32 s16;
	(pc) =	sbr.rel @p0 .LBB2_4-.Ltmp3, $4  }
0x41: {  	[tilespmem:v8+s9+$0x0] =	vst.idx.msk vm0, v9  }
0x42: {  	s17 =	sadd.s32 $0x10, s17;
	[tilespmem:v8+s10+$0x0] =	vst.idx.msk vm0, v7  }
0x43: {  	v7 =	vld [tilespmem:s17+$0x0]  }
0x44: {  	s16 =	sadd.s32 $0x10, s16  }
0x45: {  	_ =	sdelay $0x2  }
0x46: {  	vm0 =	vge.s32 v7, v0;
	vm1 =	vlt.s32 v7, v1  }
0x47: {  	vm0 =	vmand vm0, vm1  }
0x48: {  	v8 =	vmpcnt.ones.xlane vm0;
	_ =	sdelay $0x1  }
0x49: {  	v9 =	vsel vm0, $0x1, v4;
	v6 =	vadd.s32 v6, v8  }
0x4a: {  	(xrf0) =	vadd.scan.msk.s32 $0xffff, v9;
	v6 =	vxor.u32 $0x80000000, v6  }
0x4b: {  	(xrf0) =	vmax.scan.msk.u32 $0xffff, v6;
	_ =	sdelay $0x4  }
0x4c: {  	v6, _, _ =	vpop (xrf0)  }
0x4d: {  	v58, _, _ =	vpop (xrf0)  }
0x4e: {  	(v2sf) =	vpush v58, $0xF;
	_ =	sdelay $0x4  }
0x4f: {  	v7 =	vsub.s32 v7, v0  }
0x50: {  	v7 =	vnsel vm0, $0x0, v7;
	_ =	sdelay $0x1  }
0x51: {  	v5 =	vadd.s32 v6, v5  }
0x52: {  	v5 =	vadd.s32 $0xFFFFFFFF, v5  }
0x53: {  	v5 =	vnsel vm0, $0x0, v5  }
0x54: {  	v6 =	vld.idx.msk [tilespmem:v7+s8+$0x0], vm0;
	_ =	sdelay $0x2  }
0x55: {  	v7 =	vor.u32 s15, v3  }
0x56: {  	[tilespmem:v5+s9+$0x0] =	vst.idx.msk vm0, v7;
	s17 =	spop (v2sf)  }
0x57: {  	s15 =	simm.s32 $0xBA40;
	[tilespmem:v5+s10+$0x0] =	vst.idx.msk vm0, v6;
	s18 =	sxor.u32 $0x80000000, s17  }
0x58: {  	s16 =	simm.s32 $0xFAC0;
	v5 =	vld.msk [tilespmem:s15+$0x0], $0xffff;
	v6 =	vadd.s32 s18, v3  }
0x59: {  	v7 =	vld.msk [tilespmem:s16+$0x0], $0xffff;
	s24 =	sadd.s32 $0x80000010, s17  }
0x5a: {  	v59 =	vadd.s32 s24, v3  }
0x5b: {  	s25 =	sadd.s32 $0x80000020, s17  }
0x5c: {  	v60 =	vadd.s32 s25, v3  }
0x5d: {  	s26 =	sadd.s32 $0x80000030, s17;
	[tilespmem:v6+s15+$0x0] =	vst.idx.msk $0xffff, v5  }
0x5e: {  	[tilespmem:v6+s16+$0x0] =	vst.idx.msk $0xffff, v7;
	v6 =	vadd.s32 s26, v3  }
0x5f: {  	s28 =	sadd.s32 $0x80000040, s17;
	[tilespmem:v59+s15+$0x0] =	vst.idx.msk $0xffff, v5  }
0x60: {  	v61 =	vadd.s32 s28, v3;
	[tilespmem:v59+s16+$0x0] =	vst.idx.msk $0xffff, v7  }
0x61: {  	s29 =	sadd.s32 $0x80000050, s17;
	[tilespmem:v60+s15+$0x0] =	vst.idx.msk $0xffff, v5  }
0x62: {  	v62 =	vadd.s32 s29, v3;
	[tilespmem:v60+s16+$0x0] =	vst.idx.msk $0xffff, v7  }
0x63: {  	s30 =	sadd.s32 $0x80000060, s17;
	[tilespmem:v6+s15+$0x0] =	vst.idx.msk $0xffff, v5  }
0x64: {  	[tilespmem:v6+s16+$0x0] =	vst.idx.msk $0xffff, v7;
	v6 =	vadd.s32 s30, v3  }
0x65: {  	s31 =	sadd.s32 $0x80000070, s17;
	s17 =	sadd.s32 $0x8000007F, s17;
	[tilespmem:v61+s15+$0x0] =	vst.idx.msk $0xffff, v5  }
0x66: {  	v63 =	vadd.s32 s31, v3;
	s17 =	sshra.s32 s17, $0x7;
	[tilespmem:v61+s16+$0x0] =	vst.idx.msk $0xffff, v7  }
0x67: {  	p0 =	slt.s32 s17, $0x1;
	[tilespmem:v62+s15+$0x0] =	vst.idx.msk $0xffff, v5  }
.Ltmp4:
0x68: {  	[tilespmem:v62+s16+$0x0] =	vst.idx.msk $0xffff, v7;
	(pc) =	sbr.rel @p0 .LBB2_9-.Ltmp4, $4  }
0x69: {  	[tilespmem:v6+s15+$0x0] =	vst.idx.msk $0xffff, v5  }
0x6a: {  	[tilespmem:v6+s16+$0x0] =	vst.idx.msk $0xffff, v7  }
0x6b: {  	[tilespmem:v63+s15+$0x0] =	vst.idx.msk $0xffff, v5  }
0x6c: {  	[tilespmem:v63+s16+$0x0] =	vst.idx.msk $0xffff, v7  }
0x6d: {  	[tilespmem:s12], [sflag:$0x1] =	stream.indirect.gather [hbm4b:s3+s11], $0x40, s16, s11, $0xb8;
	[tilespmem:$0x15B40] =	vst v63  }
0x6e: {  	p0 =	sne.s32 s17, $0x1;
	_ =	swait.ge [sflag:s13], $0x2000  }
.Ltmp5:
0x6f: {  	[sflag:s13] =	ssyncset.done $0x0;
	(pc) =	sbr.rel @!p0 .LBB2_8-.Ltmp5, $4  }
0x70: {  	[sflag:s13] =	ssyncadd.s32 $0xFFFFE000  }
0x71: {  	[hbm4b:s4+s11] =	stream.indirect.scatter [tilespmem:s12], [sflag:$0x1], $0x40, s15, s11, $0xb8;
	[tilespmem:$0x15B40] =	vst v63  }
0x72: {  	_ =	swait.ge [sflag:s13], $0x2000  }
0x73: {  	s17 =	sadd.s32 $0xFFFFFFFF, s17;
	[sflag:s13] =	ssyncset.done $0x0  }
.LBB2_7:
0x74: {  	[sflag:s13] =	ssyncadd.s32 $0xFFFFE000;
	s16 =	sadd.s32 $0x80, s16;
	s15 =	sadd.s32 $0x80, s15  }
0x75: {  	[tilespmem:s12], [sflag:$0x1] =	stream.indirect.gather [hbm4b:s3+s11], $0x40, s16, s11, $0xb8;
	[tilespmem:$0x15B40] =	vst v63  }
0x76: {  	p0 =	sne.s32 s17, $0x1;
	s17 =	sadd.s32 $0xFFFFFFFF, s17;
	_ =	swait.ge [sflag:s13], $0x2000  }
.Ltmp6:
0x77: {  	[sflag:s13] =	ssyncset.done $0x0;
	(pc) =	sbr.rel @p0 .LBB2_7-.Ltmp6, $4  }
0x78: {  	[sflag:s13] =	ssyncadd.s32 $0xFFFFE000  }
0x79: {  	[hbm4b:s4+s11] =	stream.indirect.scatter [tilespmem:s12], [sflag:$0x1], $0x40, s15, s11, $0xb8;
	[tilespmem:$0x15B40] =	vst v63  }
0x7a: {  	_ =	swait.ge [sflag:s13], $0x2000  }
0x7b: {  	[sflag:s13] =	ssyncset.done $0x0  }
.Ltmp7:
0x7c: {  	_ = 	snop;
	(pc) =	sbr.rel .LBB2_8-.Ltmp7, $1  }
0x7d: {  	_ =	sdelay $0x3  }
.LBB2_10:
0x7e: {  	_ =	sfence.sel $0x180000  }
0x7f: {  	[bflag:$0x0] =	sbarrier.arrive $0xFFFF  }
0x80: {  	p0 =	sne.s32 s0, $0x0;
	_ =	strace $0x90000047  }
0x81: {  	s0 =	sadd.s32 @!p0 $0x100000, s2;
	[bflag:$0x2] =	sbarrier.arrive $0xFFFF  }
0x82: {  	[sflag:s0] =	ssyncadd.tile.s32 @!p0 $0x1;
	_ =	shalt  }
.Lfunc_end2:
_tile_overlayer_lowered:
.L_overlay_start_2:
0x83: {  	(tag) =	ssettag $0x2  }
0x84: {  	s0 =	rddreg [dreg:$0x0];
	s2 =	stileid.u32  }
0x85: {  	s1 =	rddreg [dreg:$0x1];
	p0 =	sne.s32 s2, $0x0  }
0x86: {  	s3 =	rddreg [dreg:$0x2];
	[bflag:$0x3] =	sbarrier.arrive $0xFFFF;
	s2 =	simm.s32 @!p0 $0x1C02  }
0x87: {  	[timem:s3], [sflag:s2] =	dma.local @!p0 [hbm:s0], s1  }
0x88: {  	s0 =	simm.s32 @!p0 $0x2  }
0x89: {  	_ =	swait.ge @!p0 [sflag:s0], s1  }
0x8a: {  	s1 =	ssub.s32 @!p0 $0x0, s1;
	[sflag:s0] =	ssyncset.done @!p0 $0x0  }
0x8b: {  	[sflag:s0] =	ssyncadd.s32 @!p0 s1  }
0x8c: {  	[bflag:$0x3] =	sbarrier.arrive $0xFFFF  }
0x8d: {  	_ =	shalt  }

</sc_bundles>
